<compile_context>
chip_gen: v7x
topology: tpu7x:2x2x1
jax: 0.10.2.dev20260603
libtpu: 0.0.44.dev20260713+nightly
codegen_flags: <defaults>
</compile_context>

<pallas_src>
import functools

import jax
import jax.numpy as jnp
from jax import lax
from jax.experimental import pallas as pl
from jax.experimental.pallas import tpu as pltpu
from jax.experimental.pallas import tpu_sc as plsc

_info = plsc.get_sparse_core_info()
_NC, _NS, _L = _info.num_cores, _info.num_subcores, _info.num_lanes
_NW = _NC * _NS

_N = 4 * 4096 * 2048
_PER_W = _N // _NW
_CHUNK = 24576
_CHUNKS = _PER_W // _CHUNK


def _sc_relu(x_hbm, o_hbm, bin0, bin1, bout0, bout1, si0, si1, so0, so1):
    wid = lax.axis_index("s") * _NC + lax.axis_index("c")
    base = wid * _PER_W
    bins = (bin0, bin1)
    bouts = (bout0, bout1)
    sis = (si0, si1)
    sos = (so0, so1)

    pltpu.async_copy(x_hbm.at[pl.ds(base, _CHUNK)], bin0, si0)
    pltpu.async_copy(x_hbm.at[pl.ds(base + _CHUNK, _CHUNK)], bin1, si1)

    def gbody(g, carry):
        for b in range(2):
            ci = g * 2 + b
            off = base + ci * _CHUNK
            pltpu.make_async_copy(x_hbm.at[pl.ds(off, _CHUNK)], bins[b], sis[b]).wait()

            @pl.when(g > 0)
            def _drain_prev(off=off, b=b):
                prev = off - 2 * _CHUNK
                pltpu.make_async_copy(
                    bouts[b], o_hbm.at[pl.ds(prev, _CHUNK)], sos[b]
                ).wait()

            def vec(vi, c, b=b):
                for k in range(8):
                    s = pl.ds(vi * (8 * _L) + k * _L, _L)
                    bouts[b][s] = jnp.maximum(bins[b][s], 0.0)
                return c

            lax.fori_loop(0, _CHUNK // (8 * _L), vec, 0)

            pltpu.async_copy(bouts[b], o_hbm.at[pl.ds(off, _CHUNK)], sos[b])

            @pl.when(ci + 2 < _CHUNKS)
            def _next_in(off=off, b=b):
                pltpu.async_copy(
                    x_hbm.at[pl.ds(off + 2 * _CHUNK, _CHUNK)], bins[b], sis[b]
                )
        return carry

    lax.fori_loop(0, _CHUNKS // 2, gbody, 0)

    for b in range(2):
        last = base + (_CHUNKS - 2 + b) * _CHUNK
        pltpu.make_async_copy(bouts[b], o_hbm.at[pl.ds(last, _CHUNK)], sos[b]).wait()


def kernel(x):
    b, s, d = x.shape
    flat = x.reshape(_N)
    mesh = plsc.VectorSubcoreMesh(core_axis_name="c", subcore_axis_name="s")
    out = functools.partial(
        pl.kernel,
        mesh=mesh,
        out_type=jax.ShapeDtypeStruct((_N,), jnp.float32),
        scratch_types=[
            pltpu.VMEM((_CHUNK,), jnp.float32),
            pltpu.VMEM((_CHUNK,), jnp.float32),
            pltpu.VMEM((_CHUNK,), jnp.float32),
            pltpu.VMEM((_CHUNK,), jnp.float32),
            pltpu.SemaphoreType.DMA,
            pltpu.SemaphoreType.DMA,
            pltpu.SemaphoreType.DMA,
            pltpu.SemaphoreType.DMA,
        ],
    )(_sc_relu)(flat)
    return out.reshape(b, s, d)

# --- scband reference (transcript-rebuilt; emitter-appended) ---
"""Pipeline reference for scband-re-lumpc-10883447128476 (READ-ONLY COPY).

The authoritative reference and input builder live on the scoring server;
editing this copy changes nothing except your own understanding.
"""

import jax, jax.numpy as jnp
import numpy as np

def setup_inputs(seed: int = 0) -> dict:
    key = jax.random.key(seed)
    x = jax.random.normal(key, (4, 4096, 2048), dtype=jnp.float32)
    return {"x": x}

def reference(x):
    # With agt=None (or in training mode) the module reduces to F.relu(x).
    return jnp.maximum(x, 0.0)

if __name__ == "__main__":
    import jax
    _d = setup_inputs()
    print(jax.jit(kernel)(*tuple(_d.values())))

</pallas_src>

<mosaic_0001>
#map = affine_map<(d0, d1) -> (0)>
module attributes {stable_mosaic.version = 14 : i64} {
  func.func @_sc_relu(%arg0: i32, %arg1: i32, %arg2: memref<33554432xf32, #tpu.memory_space<hbm>>, %arg3: memref<33554432xf32, #tpu.memory_space<hbm>>, %arg4: memref<24576xf32, #tpu.memory_space<vmem>>, %arg5: memref<24576xf32, #tpu.memory_space<vmem>>, %arg6: memref<24576xf32, #tpu.memory_space<vmem>>, %arg7: memref<24576xf32, #tpu.memory_space<vmem>>, %arg8: memref<!tpu.dma_semaphore, #tpu.memory_space<semaphore_mem>>, %arg9: memref<!tpu.dma_semaphore, #tpu.memory_space<semaphore_mem>>, %arg10: memref<!tpu.dma_semaphore, #tpu.memory_space<semaphore_mem>>, %arg11: memref<!tpu.dma_semaphore, #tpu.memory_space<semaphore_mem>>) attributes {dimension_semantics = [#tpu.dimension_semantics<core_parallel>, #tpu.dimension_semantics<subcore_parallel>], iteration_bounds = array<i64: 2, 16>, scalar_prefetch = 0 : i64, scratch_operands = 8 : i64, tpu.core_type = #tpu.core_type<sc_vector_subcore>, window_params = [{transform_indices = #map}, {transform_indices = #map}]} {
    %mul3A = arith.constant 2 : i32
    %mul3A_0 = arith.muli %arg1, %mul3A : i32
    %add3A = arith.addi %mul3A_0, %arg0 : i32
    %mul3A_1 = arith.constant 1048576 : i32
    %mul3A_2 = arith.muli %add3A, %mul3A_1 : i32
    %dma_start3A = tpu.memref_slice %arg2[%mul3A_2] : memref<33554432xf32, #tpu.memory_space<hbm>> -> memref<24576xf32, #tpu.memory_space<hbm>>
    %dma_start3A_3 = tpu.memref_slice %arg2[%mul3A_2] : memref<33554432xf32, #tpu.memory_space<hbm>> -> memref<24576xf32, #tpu.memory_space<hbm>>
    tpu.enqueue_dma source(%dma_start3A_3 : memref<24576xf32, #tpu.memory_space<hbm>>) target(%arg4 : memref<24576xf32, #tpu.memory_space<vmem>>) target_semaphore(%arg8 : memref<!tpu.dma_semaphore, #tpu.memory_space<semaphore_mem>>)
    %add3A_4 = arith.constant 24576 : i32
    %add3A_5 = arith.addi %mul3A_2, %add3A_4 : i32
    %dma_start3A_6 = tpu.memref_slice %arg2[%add3A_5] : memref<33554432xf32, #tpu.memory_space<hbm>> -> memref<24576xf32, #tpu.memory_space<hbm>>
    %dma_start3A_7 = tpu.memref_slice %arg2[%add3A_5] : memref<33554432xf32, #tpu.memory_space<hbm>> -> memref<24576xf32, #tpu.memory_space<hbm>>
    tpu.enqueue_dma source(%dma_start3A_7 : memref<24576xf32, #tpu.memory_space<hbm>>) target(%arg5 : memref<24576xf32, #tpu.memory_space<vmem>>) target_semaphore(%arg9 : memref<!tpu.dma_semaphore, #tpu.memory_space<semaphore_mem>>)
    %scan3A = arith.constant 0 : i32
    %scan3A_8 = arith.constant 0 : i32
    %scan3A_9 = arith.constant 21 : i32
    %scan3A_10 = arith.addi %scan3A_8, %scan3A_9 : i32
    %scan3A_11 = arith.constant 1 : i32
    scf.for %scan3A_20 = %scan3A_8 to %scan3A_10 step %scan3A_11  : i32 {
      %mul3A_21 = arith.constant 2 : i32
      %mul3A_22 = arith.muli %scan3A_20, %mul3A_21 : i32
      %add3A_23 = arith.constant 0 : i32
      %add3A_24 = arith.addi %mul3A_22, %add3A_23 : i32
      %mul3A_25 = arith.constant 24576 : i32
      %mul3A_26 = arith.muli %add3A_24, %mul3A_25 : i32
      %add3A_27 = arith.addi %mul3A_2, %mul3A_26 : i32
      %dma_wait3A_28 = tpu.memref_slice %arg2[%add3A_27] : memref<33554432xf32, #tpu.memory_space<hbm>> -> memref<24576xf32, #tpu.memory_space<hbm>>
      %dma_wait3A_29 = tpu.memref_slice %arg2[%add3A_27] : memref<33554432xf32, #tpu.memory_space<hbm>> -> memref<24576xf32, #tpu.memory_space<hbm>>
      tpu.wait_dma2 semaphore(%arg8 : memref<!tpu.dma_semaphore, #tpu.memory_space<semaphore_mem>>) src(%dma_wait3A_29 : memref<24576xf32, #tpu.memory_space<hbm>>) dst(%arg4 : memref<24576xf32, #tpu.memory_space<vmem>>)
      %gt3A = arith.constant 0 : i32
      %gt3A_30 = arith.cmpi sgt, %scan3A_20, %gt3A : i32
      %convert_element_type3A = arith.extui %gt3A_30 : i1 to i32
      %cond3A = arith.constant 0 : i32
      %cond3A_31 = arith.cmpi ne, %convert_element_type3A, %cond3A : i32
      scf.if %cond3A_31 {
        %sub3A = arith.constant 49152 : i32
        %sub3A_75 = arith.subi %add3A_27, %sub3A : i32
        %dma_wait3A_76 = tpu.memref_slice %arg3[%sub3A_75] : memref<33554432xf32, #tpu.memory_space<hbm>> -> memref<24576xf32, #tpu.memory_space<hbm>>
        %dma_wait3A_77 = tpu.memref_slice %arg3[%sub3A_75] : memref<33554432xf32, #tpu.memory_space<hbm>> -> memref<24576xf32, #tpu.memory_space<hbm>>
        tpu.wait_dma2 semaphore(%arg10 : memref<!tpu.dma_semaphore, #tpu.memory_space<semaphore_mem>>) src(%arg6 : memref<24576xf32, #tpu.memory_space<vmem>>) dst(%dma_wait3A_77 : memref<24576xf32, #tpu.memory_space<hbm>>)
      } else {
      }
      %scan3A_32 = arith.constant 0 : i32
      %scan3A_33 = arith.constant 0 : i32
      %scan3A_34 = arith.constant 192 : i32
      %scan3A_35 = arith.addi %scan3A_33, %scan3A_34 : i32
      %scan3A_36 = arith.constant 1 : i32
      scf.for %scan3A_75 = %scan3A_33 to %scan3A_35 step %scan3A_36  : i32 {
        %mul3A_76 = arith.constant 128 : i32
        %mul3A_77 = arith.muli %scan3A_75, %mul3A_76 : i32
        %add3A_78 = arith.constant 0 : i32
        %add3A_79 = arith.addi %mul3A_77, %add3A_78 : i32
        %get3A = arith.index_cast %add3A_79 : i32 to index
        %get3A_80 = tpu.vector_load %arg4[%get3A] {strides = array<i32>} : memref<24576xf32, #tpu.memory_space<vmem>>, vector<16xf32>,
        %get3A_81 = vector.shape_cast %get3A_80 : vector<16xf32> to vector<16xf32>
        %max3A = arith.constant 0.000000e+00 : f32
        %max3A_82 = vector.broadcast %max3A : f32 to vector<16xf32>
        %max3A_83 = arith.maximumf %get3A_81, %max3A_82 : vector<16xf32>
        %swap3A = arith.index_cast %add3A_79 : i32 to index
        %swap3A_84 = tpu.vector_load %arg6[%swap3A] {strides = array<i32>} : memref<24576xf32, #tpu.memory_space<vmem>>, vector<16xf32>,
        %swap3A_85 = vector.shape_cast %swap3A_84 : vector<16xf32> to vector<16xf32>
        %swap3A_86 = vector.shape_cast %max3A_83 : vector<16xf32> to vector<16xf32>
        tpu.vector_store %arg6[%swap3A], %swap3A_86 {strides = array<i32>} : memref<24576xf32, #tpu.memory_space<vmem>>, vector<16xf32>,
        %mul3A_87 = arith.constant 128 : i32
        %mul3A_88 = arith.muli %scan3A_75, %mul3A_87 : i32
        %add3A_89 = arith.constant 16 : i32
        %add3A_90 = arith.addi %mul3A_88, %add3A_89 : i32
        %get3A_91 = arith.index_cast %add3A_90 : i32 to index
        %get3A_92 = tpu.vector_load %arg4[%get3A_91] {strides = array<i32>} : memref<24576xf32, #tpu.memory_space<vmem>>, vector<16xf32>,
        %get3A_93 = vector.shape_cast %get3A_92 : vector<16xf32> to vector<16xf32>
        %max3A_94 = arith.constant 0.000000e+00 : f32
        %max3A_95 = vector.broadcast %max3A_94 : f32 to vector<16xf32>
        %max3A_96 = arith.maximumf %get3A_93, %max3A_95 : vector<16xf32>
        %swap3A_97 = arith.index_cast %add3A_90 : i32 to index
        %swap3A_98 = tpu.vector_load %arg6[%swap3A_97] {strides = array<i32>} : memref<24576xf32, #tpu.memory_space<vmem>>, vector<16xf32>,
        %swap3A_99 = vector.shape_cast %swap3A_98 : vector<16xf32> to vector<16xf32>
        %swap3A_100 = vector.shape_cast %max3A_96 : vector<16xf32> to vector<16xf32>
        tpu.vector_store %arg6[%swap3A_97], %swap3A_100 {strides = array<i32>} : memref<24576xf32, #tpu.memory_space<vmem>>, vector<16xf32>,
        %mul3A_101 = arith.constant 128 : i32
        %mul3A_102 = arith.muli %scan3A_75, %mul3A_101 : i32
        %add3A_103 = arith.constant 32 : i32
        %add3A_104 = arith.addi %mul3A_102, %add3A_103 : i32
        %get3A_105 = arith.index_cast %add3A_104 : i32 to index
        %get3A_106 = tpu.vector_load %arg4[%get3A_105] {strides = array<i32>} : memref<24576xf32, #tpu.memory_space<vmem>>, vector<16xf32>,
        %get3A_107 = vector.shape_cast %get3A_106 : vector<16xf32> to vector<16xf32>
        %max3A_108 = arith.constant 0.000000e+00 : f32
        %max3A_109 = vector.broadcast %max3A_108 : f32 to vector<16xf32>
        %max3A_110 = arith.maximumf %get3A_107, %max3A_109 : vector<16xf32>
        %swap3A_111 = arith.index_cast %add3A_104 : i32 to index
        %swap3A_112 = tpu.vector_load %arg6[%swap3A_111] {strides = array<i32>} : memref<24576xf32, #tpu.memory_space<vmem>>, vector<16xf32>,
        %swap3A_113 = vector.shape_cast %swap3A_112 : vector<16xf32> to vector<16xf32>
        %swap3A_114 = vector.shape_cast %max3A_110 : vector<16xf32> to vector<16xf32>
        tpu.vector_store %arg6[%swap3A_111], %swap3A_114 {strides = array<i32>} : memref<24576xf32, #tpu.memory_space<vmem>>, vector<16xf32>,
        %mul3A_115 = arith.constant 128 : i32
        %mul3A_116 = arith.muli %scan3A_75, %mul3A_115 : i32
        %add3A_117 = arith.constant 48 : i32
        %add3A_118 = arith.addi %mul3A_116, %add3A_117 : i32
        %get3A_119 = arith.index_cast %add3A_118 : i32 to index
        %get3A_120 = tpu.vector_load %arg4[%get3A_119] {strides = array<i32>} : memref<24576xf32, #tpu.memory_space<vmem>>, vector<16xf32>,
        %get3A_121 = vector.shape_cast %get3A_120 : vector<16xf32> to vector<16xf32>
        %max3A_122 = arith.constant 0.000000e+00 : f32
        %max3A_123 = vector.broadcast %max3A_122 : f32 to vector<16xf32>
        %max3A_124 = arith.maximumf %get3A_121, %max3A_123 : vector<16xf32>
        %swap3A_125 = arith.index_cast %add3A_118 : i32 to index
        %swap3A_126 = tpu.vector_load %arg6[%swap3A_125] {strides = array<i32>} : memref<24576xf32, #tpu.memory_space<vmem>>, vector<16xf32>,
        %swap3A_127 = vector.shape_cast %swap3A_126 : vector<16xf32> to vector<16xf32>
        %swap3A_128 = vector.shape_cast %max3A_124 : vector<16xf32> to vector<16xf32>
        tpu.vector_store %arg6[%swap3A_125], %swap3A_128 {strides = array<i32>} : memref<24576xf32, #tpu.memory_space<vmem>>, vector<16xf32>,
        %mul3A_129 = arith.constant 128 : i32
        %mul3A_130 = arith.muli %scan3A_75, %mul3A_129 : i32
        %add3A_131 = arith.constant 64 : i32
        %add3A_132 = arith.addi %mul3A_130, %add3A_131 : i32
        %get3A_133 = arith.index_cast %add3A_132 : i32 to index
        %get3A_134 = tpu.vector_load %arg4[%get3A_133] {strides = array<i32>} : memref<24576xf32, #tpu.memory_space<vmem>>, vector<16xf32>,
        %get3A_135 = vector.shape_cast %get3A_134 : vector<16xf32> to vector<16xf32>
        %max3A_136 = arith.constant 0.000000e+00 : f32
        %max3A_137 = vector.broadcast %max3A_136 : f32 to vector<16xf32>
        %max3A_138 = arith.maximumf %get3A_135, %max3A_137 : vector<16xf32>
        %swap3A_139 = arith.index_cast %add3A_132 : i32 to index
        %swap3A_140 = tpu.vector_load %arg6[%swap3A_139] {strides = array<i32>} : memref<24576xf32, #tpu.memory_space<vmem>>, vector<16xf32>,
        %swap3A_141 = vector.shape_cast %swap3A_140 : vector<16xf32> to vector<16xf32>
        %swap3A_142 = vector.shape_cast %max3A_138 : vector<16xf32> to vector<16xf32>
        tpu.vector_store %arg6[%swap3A_139], %swap3A_142 {strides = array<i32>} : memref<24576xf32, #tpu.memory_space<vmem>>, vector<16xf32>,
        %mul3A_143 = arith.constant 128 : i32
        %mul3A_144 = arith.muli %scan3A_75, %mul3A_143 : i32
        %add3A_145 = arith.constant 80 : i32
        %add3A_146 = arith.addi %mul3A_144, %add3A_145 : i32
        %get3A_147 = arith.index_cast %add3A_146 : i32 to index
        %get3A_148 = tpu.vector_load %arg4[%get3A_147] {strides = array<i32>} : memref<24576xf32, #tpu.memory_space<vmem>>, vector<16xf32>,
        %get3A_149 = vector.shape_cast %get3A_148 : vector<16xf32> to vector<16xf32>
        %max3A_150 = arith.constant 0.000000e+00 : f32
        %max3A_151 = vector.broadcast %max3A_150 : f32 to vector<16xf32>
        %max3A_152 = arith.maximumf %get3A_149, %max3A_151 : vector<16xf32>
        %swap3A_153 = arith.index_cast %add3A_146 : i32 to index
        %swap3A_154 = tpu.vector_load %arg6[%swap3A_153] {strides = array<i32>} : memref<24576xf32, #tpu.memory_space<vmem>>, vector<16xf32>,
        %swap3A_155 = vector.shape_cast %swap3A_154 : vector<16xf32> to vector<16xf32>
        %swap3A_156 = vector.shape_cast %max3A_152 : vector<16xf32> to vector<16xf32>
        tpu.vector_store %arg6[%swap3A_153], %swap3A_156 {strides = array<i32>} : memref<24576xf32, #tpu.memory_space<vmem>>, vector<16xf32>,
        %mul3A_157 = arith.constant 128 : i32
        %mul3A_158 = arith.muli %scan3A_75, %mul3A_157 : i32
        %add3A_159 = arith.constant 96 : i32
        %add3A_160 = arith.addi %mul3A_158, %add3A_159 : i32
        %get3A_161 = arith.index_cast %add3A_160 : i32 to index
        %get3A_162 = tpu.vector_load %arg4[%get3A_161] {strides = array<i32>} : memref<24576xf32, #tpu.memory_space<vmem>>, vector<16xf32>,
        %get3A_163 = vector.shape_cast %get3A_162 : vector<16xf32> to vector<16xf32>
        %max3A_164 = arith.constant 0.000000e+00 : f32
        %max3A_165 = vector.broadcast %max3A_164 : f32 to vector<16xf32>
        %max3A_166 = arith.maximumf %get3A_163, %max3A_165 : vector<16xf32>
        %swap3A_167 = arith.index_cast %add3A_160 : i32 to index
        %swap3A_168 = tpu.vector_load %arg6[%swap3A_167] {strides = array<i32>} : memref<24576xf32, #tpu.memory_space<vmem>>, vector<16xf32>,
        %swap3A_169 = vector.shape_cast %swap3A_168 : vector<16xf32> to vector<16xf32>
        %swap3A_170 = vector.shape_cast %max3A_166 : vector<16xf32> to vector<16xf32>
        tpu.vector_store %arg6[%swap3A_167], %swap3A_170 {strides = array<i32>} : memref<24576xf32, #tpu.memory_space<vmem>>, vector<16xf32>,
        %mul3A_171 = arith.constant 128 : i32
        %mul3A_172 = arith.muli %scan3A_75, %mul3A_171 : i32
        %add3A_173 = arith.constant 112 : i32
        %add3A_174 = arith.addi %mul3A_172, %add3A_173 : i32
        %get3A_175 = arith.index_cast %add3A_174 : i32 to index
        %get3A_176 = tpu.vector_load %arg4[%get3A_175] {strides = array<i32>} : memref<24576xf32, #tpu.memory_space<vmem>>, vector<16xf32>,
        %get3A_177 = vector.shape_cast %get3A_176 : vector<16xf32> to vector<16xf32>
        %max3A_178 = arith.constant 0.000000e+00 : f32
        %max3A_179 = vector.broadcast %max3A_178 : f32 to vector<16xf32>
        %max3A_180 = arith.maximumf %get3A_177, %max3A_179 : vector<16xf32>
        %swap3A_181 = arith.index_cast %add3A_174 : i32 to index
        %swap3A_182 = tpu.vector_load %arg6[%swap3A_181] {strides = array<i32>} : memref<24576xf32, #tpu.memory_space<vmem>>, vector<16xf32>,
        %swap3A_183 = vector.shape_cast %swap3A_182 : vector<16xf32> to vector<16xf32>
        %swap3A_184 = vector.shape_cast %max3A_180 : vector<16xf32> to vector<16xf32>
        tpu.vector_store %arg6[%swap3A_181], %swap3A_184 {strides = array<i32>} : memref<24576xf32, #tpu.memory_space<vmem>>, vector<16xf32>,
      }
      %scan3A_37 = arith.constant 192 : i32
      %dma_start3A_38 = tpu.memref_slice %arg3[%add3A_27] : memref<33554432xf32, #tpu.memory_space<hbm>> -> memref<24576xf32, #tpu.memory_space<hbm>>
      %dma_start3A_39 = tpu.memref_slice %arg3[%add3A_27] : memref<33554432xf32, #tpu.memory_space<hbm>> -> memref<24576xf32, #tpu.memory_space<hbm>>
      tpu.enqueue_dma source(%arg6 : memref<24576xf32, #tpu.memory_space<vmem>>) target(%dma_start3A_39 : memref<24576xf32, #tpu.memory_space<hbm>>) target_semaphore(%arg10 : memref<!tpu.dma_semaphore, #tpu.memory_space<semaphore_mem>>)
      %add3A_40 = arith.constant 2 : i32
      %add3A_41 = arith.addi %add3A_24, %add3A_40 : i32
      %lt3A = arith.constant 42 : i32
      %lt3A_42 = arith.cmpi slt, %add3A_41, %lt3A : i32
      %convert_element_type3A_43 = arith.extui %lt3A_42 : i1 to i32
      %cond3A_44 = arith.constant 0 : i32
      %cond3A_45 = arith.cmpi ne, %convert_element_type3A_43, %cond3A_44 : i32
      scf.if %cond3A_45 {
        %add3A_75 = arith.constant 49152 : i32
        %add3A_76 = arith.addi %add3A_27, %add3A_75 : i32
        %dma_start3A_77 = tpu.memref_slice %arg2[%add3A_76] : memref<33554432xf32, #tpu.memory_space<hbm>> -> memref<24576xf32, #tpu.memory_space<hbm>>
        %dma_start3A_78 = tpu.memref_slice %arg2[%add3A_76] : memref<33554432xf32, #tpu.memory_space<hbm>> -> memref<24576xf32, #tpu.memory_space<hbm>>
        tpu.enqueue_dma source(%dma_start3A_78 : memref<24576xf32, #tpu.memory_space<hbm>>) target(%arg4 : memref<24576xf32, #tpu.memory_space<vmem>>) target_semaphore(%arg8 : memref<!tpu.dma_semaphore, #tpu.memory_space<semaphore_mem>>)
      } else {
      }
      %mul3A_46 = arith.constant 2 : i32
      %mul3A_47 = arith.muli %scan3A_20, %mul3A_46 : i32
      %add3A_48 = arith.constant 1 : i32
      %add3A_49 = arith.addi %mul3A_47, %add3A_48 : i32
      %mul3A_50 = arith.constant 24576 : i32
      %mul3A_51 = arith.muli %add3A_49, %mul3A_50 : i32
      %add3A_52 = arith.addi %mul3A_2, %mul3A_51 : i32
      %dma_wait3A_53 = tpu.memref_slice %arg2[%add3A_52] : memref<33554432xf32, #tpu.memory_space<hbm>> -> memref<24576xf32, #tpu.memory_space<hbm>>
      %dma_wait3A_54 = tpu.memref_slice %arg2[%add3A_52] : memref<33554432xf32, #tpu.memory_space<hbm>> -> memref<24576xf32, #tpu.memory_space<hbm>>
      tpu.wait_dma2 semaphore(%arg9 : memref<!tpu.dma_semaphore, #tpu.memory_space<semaphore_mem>>) src(%dma_wait3A_54 : memref<24576xf32, #tpu.memory_space<hbm>>) dst(%arg5 : memref<24576xf32, #tpu.memory_space<vmem>>)
      %gt3A_55 = arith.constant 0 : i32
      %gt3A_56 = arith.cmpi sgt, %scan3A_20, %gt3A_55 : i32
      %convert_element_type3A_57 = arith.extui %gt3A_56 : i1 to i32
      %cond3A_58 = arith.constant 0 : i32
      %cond3A_59 = arith.cmpi ne, %convert_element_type3A_57, %cond3A_58 : i32
      scf.if %cond3A_59 {
        %sub3A = arith.constant 49152 : i32
        %sub3A_75 = arith.subi %add3A_52, %sub3A : i32
        %dma_wait3A_76 = tpu.memref_slice %arg3[%sub3A_75] : memref<33554432xf32, #tpu.memory_space<hbm>> -> memref<24576xf32, #tpu.memory_space<hbm>>
        %dma_wait3A_77 = tpu.memref_slice %arg3[%sub3A_75] : memref<33554432xf32, #tpu.memory_space<hbm>> -> memref<24576xf32, #tpu.memory_space<hbm>>
        tpu.wait_dma2 semaphore(%arg11 : memref<!tpu.dma_semaphore, #tpu.memory_space<semaphore_mem>>) src(%arg7 : memref<24576xf32, #tpu.memory_space<vmem>>) dst(%dma_wait3A_77 : memref<24576xf32, #tpu.memory_space<hbm>>)
      } else {
      }
      %scan3A_60 = arith.constant 0 : i32
      %scan3A_61 = arith.constant 0 : i32
      %scan3A_62 = arith.constant 192 : i32
      %scan3A_63 = arith.addi %scan3A_61, %scan3A_62 : i32
      %scan3A_64 = arith.constant 1 : i32
      scf.for %scan3A_75 = %scan3A_61 to %scan3A_63 step %scan3A_64  : i32 {
        %mul3A_76 = arith.constant 128 : i32
        %mul3A_77 = arith.muli %scan3A_75, %mul3A_76 : i32
        %add3A_78 = arith.constant 0 : i32
        %add3A_79 = arith.addi %mul3A_77, %add3A_78 : i32
        %get3A = arith.index_cast %add3A_79 : i32 to index
        %get3A_80 = tpu.vector_load %arg5[%get3A] {strides = array<i32>} : memref<24576xf32, #tpu.memory_space<vmem>>, vector<16xf32>,
        %get3A_81 = vector.shape_cast %get3A_80 : vector<16xf32> to vector<16xf32>
        %max3A = arith.constant 0.000000e+00 : f32
        %max3A_82 = vector.broadcast %max3A : f32 to vector<16xf32>
        %max3A_83 = arith.maximumf %get3A_81, %max3A_82 : vector<16xf32>
        %swap3A = arith.index_cast %add3A_79 : i32 to index
        %swap3A_84 = tpu.vector_load %arg7[%swap3A] {strides = array<i32>} : memref<24576xf32, #tpu.memory_space<vmem>>, vector<16xf32>,
        %swap3A_85 = vector.shape_cast %swap3A_84 : vector<16xf32> to vector<16xf32>
        %swap3A_86 = vector.shape_cast %max3A_83 : vector<16xf32> to vector<16xf32>
        tpu.vector_store %arg7[%swap3A], %swap3A_86 {strides = array<i32>} : memref<24576xf32, #tpu.memory_space<vmem>>, vector<16xf32>,
        %mul3A_87 = arith.constant 128 : i32
        %mul3A_88 = arith.muli %scan3A_75, %mul3A_87 : i32
        %add3A_89 = arith.constant 16 : i32
        %add3A_90 = arith.addi %mul3A_88, %add3A_89 : i32
        %get3A_91 = arith.index_cast %add3A_90 : i32 to index
        %get3A_92 = tpu.vector_load %arg5[%get3A_91] {strides = array<i32>} : memref<24576xf32, #tpu.memory_space<vmem>>, vector<16xf32>,
        %get3A_93 = vector.shape_cast %get3A_92 : vector<16xf32> to vector<16xf32>
        %max3A_94 = arith.constant 0.000000e+00 : f32
        %max3A_95 = vector.broadcast %max3A_94 : f32 to vector<16xf32>
        %max3A_96 = arith.maximumf %get3A_93, %max3A_95 : vector<16xf32>
        %swap3A_97 = arith.index_cast %add3A_90 : i32 to index
        %swap3A_98 = tpu.vector_load %arg7[%swap3A_97] {strides = array<i32>} : memref<24576xf32, #tpu.memory_space<vmem>>, vector<16xf32>,
        %swap3A_99 = vector.shape_cast %swap3A_98 : vector<16xf32> to vector<16xf32>
        %swap3A_100 = vector.shape_cast %max3A_96 : vector<16xf32> to vector<16xf32>
        tpu.vector_store %arg7[%swap3A_97], %swap3A_100 {strides = array<i32>} : memref<24576xf32, #tpu.memory_space<vmem>>, vector<16xf32>,
        %mul3A_101 = arith.constant 128 : i32
        %mul3A_102 = arith.muli %scan3A_75, %mul3A_101 : i32
        %add3A_103 = arith.constant 32 : i32
        %add3A_104 = arith.addi %mul3A_102, %add3A_103 : i32
        %get3A_105 = arith.index_cast %add3A_104 : i32 to index
        %get3A_106 = tpu.vector_load %arg5[%get3A_105] {strides = array<i32>} : memref<24576xf32, #tpu.memory_space<vmem>>, vector<16xf32>,
        %get3A_107 = vector.shape_cast %get3A_106 : vector<16xf32> to vector<16xf32>
        %max3A_108 = arith.constant 0.000000e+00 : f32
        %max3A_109 = vector.broadcast %max3A_108 : f32 to vector<16xf32>
        %max3A_110 = arith.maximumf %get3A_107, %max3A_109 : vector<16xf32>
        %swap3A_111 = arith.index_cast %add3A_104 : i32 to index
        %swap3A_112 = tpu.vector_load %arg7[%swap3A_111] {strides = array<i32>} : memref<24576xf32, #tpu.memory_space<vmem>>, vector<16xf32>,
        %swap3A_113 = vector.shape_cast %swap3A_112 : vector<16xf32> to vector<16xf32>
        %swap3A_114 = vector.shape_cast %max3A_110 : vector<16xf32> to vector<16xf32>
        tpu.vector_store %arg7[%swap3A_111], %swap3A_114 {strides = array<i32>} : memref<24576xf32, #tpu.memory_space<vmem>>, vector<16xf32>,
        %mul3A_115 = arith.constant 128 : i32
        %mul3A_116 = arith.muli %scan3A_75, %mul3A_115 : i32
        %add3A_117 = arith.constant 48 : i32
        %add3A_118 = arith.addi %mul3A_116, %add3A_117 : i32
        %get3A_119 = arith.index_cast %add3A_118 : i32 to index
        %get3A_120 = tpu.vector_load %arg5[%get3A_119] {strides = array<i32>} : memref<24576xf32, #tpu.memory_space<vmem>>, vector<16xf32>,
        %get3A_121 = vector.shape_cast %get3A_120 : vector<16xf32> to vector<16xf32>
        %max3A_122 = arith.constant 0.000000e+00 : f32
        %max3A_123 = vector.broadcast %max3A_122 : f32 to vector<16xf32>
        %max3A_124 = arith.maximumf %get3A_121, %max3A_123 : vector<16xf32>
        %swap3A_125 = arith.index_cast %add3A_118 : i32 to index
        %swap3A_126 = tpu.vector_load %arg7[%swap3A_125] {strides = array<i32>} : memref<24576xf32, #tpu.memory_space<vmem>>, vector<16xf32>,
        %swap3A_127 = vector.shape_cast %swap3A_126 : vector<16xf32> to vector<16xf32>
        %swap3A_128 = vector.shape_cast %max3A_124 : vector<16xf32> to vector<16xf32>
        tpu.vector_store %arg7[%swap3A_125], %swap3A_128 {strides = array<i32>} : memref<24576xf32, #tpu.memory_space<vmem>>, vector<16xf32>,
        %mul3A_129 = arith.constant 128 : i32
        %mul3A_130 = arith.muli %scan3A_75, %mul3A_129 : i32
        %add3A_131 = arith.constant 64 : i32
        %add3A_132 = arith.addi %mul3A_130, %add3A_131 : i32
        %get3A_133 = arith.index_cast %add3A_132 : i32 to index
        %get3A_134 = tpu.vector_load %arg5[%get3A_133] {strides = array<i32>} : memref<24576xf32, #tpu.memory_space<vmem>>, vector<16xf32>,
        %get3A_135 = vector.shape_cast %get3A_134 : vector<16xf32> to vector<16xf32>
        %max3A_136 = arith.constant 0.000000e+00 : f32
        %max3A_137 = vector.broadcast %max3A_136 : f32 to vector<16xf32>
        %max3A_138 = arith.maximumf %get3A_135, %max3A_137 : vector<16xf32>
        %swap3A_139 = arith.index_cast %add3A_132 : i32 to index
        %swap3A_140 = tpu.vector_load %arg7[%swap3A_139] {strides = array<i32>} : memref<24576xf32, #tpu.memory_space<vmem>>, vector<16xf32>,
        %swap3A_141 = vector.shape_cast %swap3A_140 : vector<16xf32> to vector<16xf32>
        %swap3A_142 = vector.shape_cast %max3A_138 : vector<16xf32> to vector<16xf32>
        tpu.vector_store %arg7[%swap3A_139], %swap3A_142 {strides = array<i32>} : memref<24576xf32, #tpu.memory_space<vmem>>, vector<16xf32>,
        %mul3A_143 = arith.constant 128 : i32
        %mul3A_144 = arith.muli %scan3A_75, %mul3A_143 : i32
        %add3A_145 = arith.constant 80 : i32
        %add3A_146 = arith.addi %mul3A_144, %add3A_145 : i32
        %get3A_147 = arith.index_cast %add3A_146 : i32 to index
        %get3A_148 = tpu.vector_load %arg5[%get3A_147] {strides = array<i32>} : memref<24576xf32, #tpu.memory_space<vmem>>, vector<16xf32>,
        %get3A_149 = vector.shape_cast %get3A_148 : vector<16xf32> to vector<16xf32>
        %max3A_150 = arith.constant 0.000000e+00 : f32
        %max3A_151 = vector.broadcast %max3A_150 : f32 to vector<16xf32>
        %max3A_152 = arith.maximumf %get3A_149, %max3A_151 : vector<16xf32>
        %swap3A_153 = arith.index_cast %add3A_146 : i32 to index
        %swap3A_154 = tpu.vector_load %arg7[%swap3A_153] {strides = array<i32>} : memref<24576xf32, #tpu.memory_space<vmem>>, vector<16xf32>,
        %swap3A_155 = vector.shape_cast %swap3A_154 : vector<16xf32> to vector<16xf32>
        %swap3A_156 = vector.shape_cast %max3A_152 : vector<16xf32> to vector<16xf32>
        tpu.vector_store %arg7[%swap3A_153], %swap3A_156 {strides = array<i32>} : memref<24576xf32, #tpu.memory_space<vmem>>, vector<16xf32>,
        %mul3A_157 = arith.constant 128 : i32
        %mul3A_158 = arith.muli %scan3A_75, %mul3A_157 : i32
        %add3A_159 = arith.constant 96 : i32
        %add3A_160 = arith.addi %mul3A_158, %add3A_159 : i32
        %get3A_161 = arith.index_cast %add3A_160 : i32 to index
        %get3A_162 = tpu.vector_load %arg5[%get3A_161] {strides = array<i32>} : memref<24576xf32, #tpu.memory_space<vmem>>, vector<16xf32>,
        %get3A_163 = vector.shape_cast %get3A_162 : vector<16xf32> to vector<16xf32>
        %max3A_164 = arith.constant 0.000000e+00 : f32
        %max3A_165 = vector.broadcast %max3A_164 : f32 to vector<16xf32>
        %max3A_166 = arith.maximumf %get3A_163, %max3A_165 : vector<16xf32>
        %swap3A_167 = arith.index_cast %add3A_160 : i32 to index
        %swap3A_168 = tpu.vector_load %arg7[%swap3A_167] {strides = array<i32>} : memref<24576xf32, #tpu.memory_space<vmem>>, vector<16xf32>,
        %swap3A_169 = vector.shape_cast %swap3A_168 : vector<16xf32> to vector<16xf32>
        %swap3A_170 = vector.shape_cast %max3A_166 : vector<16xf32> to vector<16xf32>
        tpu.vector_store %arg7[%swap3A_167], %swap3A_170 {strides = array<i32>} : memref<24576xf32, #tpu.memory_space<vmem>>, vector<16xf32>,
        %mul3A_171 = arith.constant 128 : i32
        %mul3A_172 = arith.muli %scan3A_75, %mul3A_171 : i32
        %add3A_173 = arith.constant 112 : i32
        %add3A_174 = arith.addi %mul3A_172, %add3A_173 : i32
        %get3A_175 = arith.index_cast %add3A_174 : i32 to index
        %get3A_176 = tpu.vector_load %arg5[%get3A_175] {strides = array<i32>} : memref<24576xf32, #tpu.memory_space<vmem>>, vector<16xf32>,
        %get3A_177 = vector.shape_cast %get3A_176 : vector<16xf32> to vector<16xf32>
        %max3A_178 = arith.constant 0.000000e+00 : f32
        %max3A_179 = vector.broadcast %max3A_178 : f32 to vector<16xf32>
        %max3A_180 = arith.maximumf %get3A_177, %max3A_179 : vector<16xf32>
        %swap3A_181 = arith.index_cast %add3A_174 : i32 to index
        %swap3A_182 = tpu.vector_load %arg7[%swap3A_181] {strides = array<i32>} : memref<24576xf32, #tpu.memory_space<vmem>>, vector<16xf32>,
        %swap3A_183 = vector.shape_cast %swap3A_182 : vector<16xf32> to vector<16xf32>
        %swap3A_184 = vector.shape_cast %max3A_180 : vector<16xf32> to vector<16xf32>
        tpu.vector_store %arg7[%swap3A_181], %swap3A_184 {strides = array<i32>} : memref<24576xf32, #tpu.memory_space<vmem>>, vector<16xf32>,
      }
      %scan3A_65 = arith.constant 192 : i32
      %dma_start3A_66 = tpu.memref_slice %arg3[%add3A_52] : memref<33554432xf32, #tpu.memory_space<hbm>> -> memref<24576xf32, #tpu.memory_space<hbm>>
      %dma_start3A_67 = tpu.memref_slice %arg3[%add3A_52] : memref<33554432xf32, #tpu.memory_space<hbm>> -> memref<24576xf32, #tpu.memory_space<hbm>>
      tpu.enqueue_dma source(%arg7 : memref<24576xf32, #tpu.memory_space<vmem>>) target(%dma_start3A_67 : memref<24576xf32, #tpu.memory_space<hbm>>) target_semaphore(%arg11 : memref<!tpu.dma_semaphore, #tpu.memory_space<semaphore_mem>>)
      %add3A_68 = arith.constant 2 : i32
      %add3A_69 = arith.addi %add3A_49, %add3A_68 : i32
      %lt3A_70 = arith.constant 42 : i32
      %lt3A_71 = arith.cmpi slt, %add3A_69, %lt3A_70 : i32
      %convert_element_type3A_72 = arith.extui %lt3A_71 : i1 to i32
      %cond3A_73 = arith.constant 0 : i32
      %cond3A_74 = arith.cmpi ne, %convert_element_type3A_72, %cond3A_73 : i32
      scf.if %cond3A_74 {
        %add3A_75 = arith.constant 49152 : i32
        %add3A_76 = arith.addi %add3A_52, %add3A_75 : i32
        %dma_start3A_77 = tpu.memref_slice %arg2[%add3A_76] : memref<33554432xf32, #tpu.memory_space<hbm>> -> memref<24576xf32, #tpu.memory_space<hbm>>
        %dma_start3A_78 = tpu.memref_slice %arg2[%add3A_76] : memref<33554432xf32, #tpu.memory_space<hbm>> -> memref<24576xf32, #tpu.memory_space<hbm>>
        tpu.enqueue_dma source(%dma_start3A_78 : memref<24576xf32, #tpu.memory_space<hbm>>) target(%arg5 : memref<24576xf32, #tpu.memory_space<vmem>>) target_semaphore(%arg9 : memref<!tpu.dma_semaphore, #tpu.memory_space<semaphore_mem>>)
      } else {
      }
    }
    %scan3A_12 = arith.constant 21 : i32
    %add3A_13 = arith.constant 983040 : i32
    %add3A_14 = arith.addi %mul3A_2, %add3A_13 : i32
    %dma_wait3A = tpu.memref_slice %arg3[%add3A_14] : memref<33554432xf32, #tpu.memory_space<hbm>> -> memref<24576xf32, #tpu.memory_space<hbm>>
    %dma_wait3A_15 = tpu.memref_slice %arg3[%add3A_14] : memref<33554432xf32, #tpu.memory_space<hbm>> -> memref<24576xf32, #tpu.memory_space<hbm>>
    tpu.wait_dma2 semaphore(%arg10 : memref<!tpu.dma_semaphore, #tpu.memory_space<semaphore_mem>>) src(%arg6 : memref<24576xf32, #tpu.memory_space<vmem>>) dst(%dma_wait3A_15 : memref<24576xf32, #tpu.memory_space<hbm>>)
    %add3A_16 = arith.constant 1007616 : i32
    %add3A_17 = arith.addi %mul3A_2, %add3A_16 : i32
    %dma_wait3A_18 = tpu.memref_slice %arg3[%add3A_17] : memref<33554432xf32, #tpu.memory_space<hbm>> -> memref<24576xf32, #tpu.memory_space<hbm>>
    %dma_wait3A_19 = tpu.memref_slice %arg3[%add3A_17] : memref<33554432xf32, #tpu.memory_space<hbm>> -> memref<24576xf32, #tpu.memory_space<hbm>>
    tpu.wait_dma2 semaphore(%arg11 : memref<!tpu.dma_semaphore, #tpu.memory_space<semaphore_mem>>) src(%arg7 : memref<24576xf32, #tpu.memory_space<vmem>>) dst(%dma_wait3A_19 : memref<24576xf32, #tpu.memory_space<hbm>>)
    return
  }
}

</mosaic_0001>

<sc_bundles>
// kernel: kernel.3.cloned.1.call-start
scs
__scs_entry_jumppad:
0x0: {  	(pc) =	sbr.rel $0x88, $3  }
0x1: {  	(tag) =	ssettag $0x0;
	lr =	simm.s32 $0x1  }
0x2: {  	[smem:$0x3FA0] =	sst lr;
	_ =	strace $0xD0000000  }
0x3: {  	_ = 	snop  }
0x4: {  	_ = 	snop  }
0x5: {  	_ = 	snop  }
0x6: {  	_ = 	snop  }
0x7: {  	_ = 	snop  }
__scs_overlays_trampoline_lowered:
0x8: {  	[smem:$0x3FAF] =	sst s0  }
0x9: {  	[smem:$0x3FB0] =	sst s1  }
0xa: {  	[smem:$0x3FB1] =	sst s2  }
0xb: {  	[smem:$0x3FB2] =	sst s3  }
0xc: {  	[smem:$0x3FB3] =	sst s4  }
0xd: {  	[smem:$0x3FB4] =	sst s5  }
0xe: {  	[smem:$0x3FB5] =	sst s6  }
0xf: {  	[smem:$0x3FB6] =	sst s7  }
0x10: {  	[smem:$0x3FB7] =	sst s8  }
0x11: {  	[smem:$0x3FB8] =	sst s9;
	s0 =	simm.s32 @!p0 $0x0  }
0x12: {  	s1 =	sld [smem:$0x3F9E];
	s0 =	simm.s32 @p0 $0x1  }
0x13: {  	[smem:$0x3FB9] =	sst s0;
	s0 =	simm.s32 @!p1 $0x0  }
0x14: {  	s2 =	sld [smem:$0x3F9D];
	s0 =	simm.s32 @p1 $0x1  }
0x15: {  	[smem:$0x3FBA] =	sst s0;
	s0 =	simm.s32 @!p2 $0x0  }
0x16: {  	s3 =	sld [smem:$0x3FDB];
	s0 =	simm.s32 @p2 $0x1  }
0x17: {  	s4 =	simm.s32 $0x1BF5;
	[smem:$0x3FBC] =	sst s0  }
0x18: {  	s0 =	sld [smem:$0x3F9F];
	_ =	swait.ge [sflag:s4], $0x0  }
0x19: {  	s7 =	sld [smem:$0x3FA0]  }
0x1a: {  	s8 =	sadd.s32 $0xFFFFE003, lr  }
0x1b: {  	s9 =	sadd.s32 $0xFFFFFEF7, lr;
	s5 =	simm.s32 $0xFFFFFFFF;
	p2 =	slt.u32 s8, $0xFFFFF086  }
0x1c: {  	p1 =	slt.u32 s9, $0xF7A;
	s5 =	simm.s32 @!p2 $0x0  }
0x1d: {  	s5 =	simm.s32 @p1 $0x1;
	p0 =	seq.s32 s7, s2  }
0x1e: {  	s7 =	smul.u32 @!p0 $0xF7A, s2;
	p2 =	seq.s32 @!p0 s5, $0x0  }
0x1f: {  	s9 =	smul.u32 $0xF7A, s1;
	s8 =	simm.s32 @!p0 $0x1BF5;
	p2 =	por !p2, p0  }
0x20: {  	[sflag:s8] =	ssyncset.s32 @!p0 $0xFFFFF086;
	s6 =	sadd.s32 @!p0 s3, s7;
	s7 =	simm.s32 @!p0 $0x108  }
0x21: {  	s3 =	sadd.s32 s3, s9;
	s6 =	sadd.s32 @!p0 $0x88, s6;
	s7 =	simm.s32 @p2 $0x1082  }
0x22: {  	[simem:s7], [sflag:s8] =	dma.local @!p0 [hbm:s6], $0xF7A  }
0x23: {  	s9 =	sor.u32 $0xD0000000, s2;
	s6 =	simm.s32 $0x108;
	_ =	swait.ge @!p0 [sflag:s8], $0x0  }
0x24: {  	s3 =	sadd.s32 $0x88, s3;
	s6 =	simm.s32 @!p1 $0x1082;
	[sflag:s4] =	ssyncset.s32 $0xFFFFF086  }
0x25: {  	[simem:s6], [sflag:s4] =	dma.local [hbm:s3], $0xF7A  }
0x26: {  	[smem:$0x3FA0] =	sst s1;
	(tag) =	ssettag s2;
	_ =	strace s9  }
0x27: {  	s1 =	sld [smem:$0x3FB0]  }
0x28: {  	s2 =	sld [smem:$0x3FB1]  }
0x29: {  	s4 =	sld [smem:$0x3FB3]  }
0x2a: {  	p0 =	seq.s32 s5, $0x0;
	s5 =	sld [smem:$0x3FB4]  }
0x2b: {  	s6 =	sld [smem:$0x3FB5]  }
0x2c: {  	s7 =	sld [smem:$0x3FB6]  }
0x2d: {  	s3 =	simm.s32 $0x108;
	s8 =	sld [smem:$0x3FB7]  }
0x2e: {  	s3 =	simm.s32 @!p0 $0x1082;
	s9 =	sld [smem:$0x3FB8]  }
0x2f: {  	lr =	sadd.s32 s0, s3;
	s0 =	sld [smem:$0x3FAF]  }
0x30: {  	s3 =	sld [smem:$0x3FB2]  }
0x31: {  	[smem:$0x3FBB] =	sst s10  }
0x32: {  	s10 =	sld [smem:$0x3FB9];
	_ =	sdelay $0x3  }
0x33: {  	p0 =	seq.s32 s10, $0x1;
	s10 =	sld [smem:$0x3FBB];
	_ =	sdelay $0x3  }
0x34: {  	[smem:$0x3FBB] =	sst s10  }
0x35: {  	s10 =	sld [smem:$0x3FBA];
	_ =	sdelay $0x3  }
0x36: {  	p1 =	seq.s32 s10, $0x1;
	s10 =	sld [smem:$0x3FBB];
	_ =	sdelay $0x3  }
0x37: {  	[smem:$0x3FBB] =	sst s10  }
0x38: {  	s10 =	sld [smem:$0x3FBC]  }
0x39: {  	_ = 	snop;
	(pc) =	sbr.ind lr, $3  }
0x3a: {  	_ = 	snop  }
0x3b: {  	_ = 	snop  }
0x3c: {  	p2 =	seq.s32 s10, $0x1;
	s10 =	sld [smem:$0x3FBB]  }
0x3d: {  	_ =	shalt  }
0x3e: {  	_ =	shalt  }
0x3f: {  	_ =	shalt  }
0x40: {  	_ =	shalt  }
0x41: {  	_ =	shalt  }
0x42: {  	_ =	shalt  }
0x43: {  	_ =	shalt  }
0x44: {  	_ =	shalt  }
0x45: {  	_ =	shalt  }
0x46: {  	_ =	shalt  }
0x47: {  	_ =	shalt  }
0x48: {  	_ =	shalt  }
0x49: {  	_ =	shalt  }
0x4a: {  	_ =	shalt  }
0x4b: {  	_ =	shalt  }
0x4c: {  	_ =	shalt  }
0x4d: {  	_ =	shalt  }
0x4e: {  	_ =	shalt  }
0x4f: {  	_ =	shalt  }
0x50: {  	_ =	shalt  }
0x51: {  	_ =	shalt  }
0x52: {  	_ =	shalt  }
0x53: {  	_ =	shalt  }
0x54: {  	_ =	shalt  }
0x55: {  	_ =	shalt  }
0x56: {  	_ =	shalt  }
0x57: {  	_ =	shalt  }
0x58: {  	_ =	shalt  }
0x59: {  	_ =	shalt  }
0x5a: {  	_ =	shalt  }
0x5b: {  	_ =	shalt  }
0x5c: {  	_ =	shalt  }
0x5d: {  	_ =	shalt  }
0x5e: {  	_ =	shalt  }
0x5f: {  	_ =	shalt  }
0x60: {  	_ =	shalt  }
0x61: {  	_ =	shalt  }
0x62: {  	_ =	shalt  }
0x63: {  	_ =	shalt  }
0x64: {  	_ =	shalt  }
0x65: {  	_ =	shalt  }
0x66: {  	_ =	shalt  }
0x67: {  	_ =	shalt  }
0x68: {  	_ =	shalt  }
0x69: {  	_ =	shalt  }
0x6a: {  	_ =	shalt  }
0x6b: {  	_ =	shalt  }
0x6c: {  	_ =	shalt  }
0x6d: {  	_ =	shalt  }
0x6e: {  	_ =	shalt  }
0x6f: {  	_ =	shalt  }
0x70: {  	_ =	shalt  }
0x71: {  	_ =	shalt  }
0x72: {  	_ =	shalt  }
0x73: {  	_ =	shalt  }
0x74: {  	_ =	shalt  }
0x75: {  	_ =	shalt  }
0x76: {  	_ =	shalt  }
0x77: {  	_ =	shalt  }
0x78: {  	_ =	shalt  }
0x79: {  	_ =	shalt  }
0x7a: {  	_ =	shalt  }
0x7b: {  	_ =	shalt  }
0x7c: {  	_ =	shalt  }
0x7d: {  	_ =	shalt  }
0x7e: {  	_ =	shalt  }
0x7f: {  	_ =	shalt  }
0x80: {  	_ =	shalt  }
0x81: {  	_ =	shalt  }
0x82: {  	_ =	shalt  }
0x83: {  	_ =	shalt  }
0x84: {  	_ =	shalt  }
0x85: {  	_ =	shalt  }
0x86: {  	_ =	shalt  }
0x87: {  	_ =	shalt  }
.Lfunc_end0:
.L_simem_size_0:
called_computation.1_lowered:
.L_overlay_start_0:
0x88: {  	s2 =	sld [smem:$0x3FD9]  }
0x89: {  	s3 =	sld [smem:$0x3FFE];
	_ =	sdelay $0x1  }
0x8a: {  	s1 =	srdreg.scid  }
0x8b: {  	s0 =	sand.u32 $0x1, s1  }
0x8c: {  	s17 =	sshll.u32 s0, $0xA;
	s2 =	sadd.s32 s3, s2  }
0x8d: {  	s2 =	sadd.s32 s2, s17  }
0x8e: {  	[smem:$0x3FC7] =	sst s2  }
0x8f: {  	_ = 	snop  }
0x90: {  	s2 =	sld [smem:$0x3FD0];
	(tm) =	ssettm $0x1  }
0x91: {  	s18 =	sld [smem:$0x3FFB];
	_ =	sdelay $0x3  }
0x92: {  	_ =	strace s18  }
0x93: {  	s3 =	sld [smem:$0x3FFC];
	_ =	sdelay $0x3  }
0x94: {  	_ =	strace s3  }
0x95: {  	s3 =	sld [smem:$0x3FFD];
	_ =	sdelay $0x3  }
0x96: {  	_ =	strace s3  }
0x97: {  	_ =	strace $0x8FFFFFFF  }
0x98: {  	s19 =	sld [smem:$0x3FDB];
	_ =	sdelay $0x1  }
0x99: {  	s4 =	simm.s32 $_scs_section_size  }
0x9a: {  	s5 =	simm.s32 $_size__tile_overlayer_lowered;
	s6 =	simm.s32 $_tile_overlayer_lowered  }
0x9b: {  	s22 =	simm.s32 $0x1BFF;
	s21 =	sshll.u32 s6, $0x1;
	s3 =	sadd.s32 s4, s19  }
0x9c: {  	s7 =	simm.s32 $0x0;
	s20 =	sshll.u32 s5, $0x1;
	s5 =	sadd.s32 s21, s3  }
0x9d: {  	[timem:s7], [sflag:s22] =	dma.local [hbm:s5], s20  }
0x9e: {  	_ =	swait.ge [sflag:s22], s20  }
0x9f: {  	s4 =	ssub.s32 $0x0, s20;
	[sflag:s22] =	ssyncset.done $0x0  }
0xa0: {  	[sflag:s22] =	ssyncadd.s32 s4;
	_ =	sdelay $0x1  }
0xa1: {  	s23 =	simm.s32 $0x1B8B  }
0xa2: {  	_ =	swait.ge [sflag:s23], $0x1  }
0xa3: {  	[sflag:s23] =	ssyncset.done $0x0  }
0xa4: {  	s25 =	simm.s32 $0x1B8E;
	s24 =	sld [smem:$0x3FFE];
	[sflag:s23] =	ssyncadd.s32 $0xFFFFFFFF  }
0xa5: {  	s26 =	simm.s32 $execute0_lowered;
	[smem:$0x3FD2] =	sst s25  }
0xa6: {  	s5 =	sshll.u32 s26, $0x1;
	_ =	strace $0x80000049;
	[dreg:$0x1] =	wrdreg $0xFFFFFFFF  }
0xa7: {  	s28 =	simm.s32 $_size_execute0_lowered;
	s3 =	sadd.s32 s3, s5;
	[dreg:$0x0] =	wrdreg $0x0  }
0xa8: {  	s5 =	sshll.u32 s28, $0x1;
	[dreg:$0x2] =	wrdreg s3  }
0xa9: {  	[dreg:$0x3] =	wrdreg s5  }
0xaa: {  	[dreg:$0x4] =	wrdreg $0xC0  }
0xab: {  	_ =	task [dreg:s7], $0x5FFFF  }
0xac: {  	[dreg:$0x1] =	wrdreg $0xFFFFFFFF  }
0xad: {  	[dreg:$0x0] =	wrdreg $0x60  }
0xae: {  	[dreg:$0x2] =	wrdreg s2  }
0xaf: {  	[dreg:$0x3] =	wrdreg s24  }
0xb0: {  	[dreg:$0x4] =	wrdreg $0x9  }
0xb1: {  	_ =	task.clear_ibuf [dreg:s7], $0x5FFFF;
	_ =	strace $0x90000049  }
0xb2: {  	s29 =	simm.s32 $0x9;
	_ =	strace $0x8000004B  }
0xb3: {  	_ =	swait.ge [sflag:s29], $0x1  }
0xb4: {  	[sflag:s29] =	ssyncadd.s32 $0xFFFFFFFF  }
0xb5: {  	_ =	strace $0x9000004B  }
0xb6: {  	_ =	sfence  }
0xb7: {  	s30 =	sld [smem:$0x0];
	_ =	sdelay $0x2  }
0xb8: {  	s31 =	sshll.u32 s1, $0xD;
	s1 =	sshrl.u32 s1, $0x2  }
0xb9: {  	s3 =	sand.u32 $0x4000, s31;
	s1 =	sadd.s32 s1, s30  }
0xba: {  	s0 =	sor.u32 s3, s0;
	s1 =	sshll.u32 s1, $0x11  }
0xbb: {  	s0 =	sor.u32 s1, s0  }
0xbc: {  	s0 =	sadd.s32 $0x8F2B, s0  }
0xbd: {  	[sflag:s0] =	ssyncadd.remote.s32 $0x1  }
0xbe: {  	_ =	sfence.sel $0xFFFF  }
0xbf: {  	[dreg:$0x0] =	wrdreg $0xFFFFFFFF;
	(pc) =	sbr.abs _section_cstart, $3  }
0xc0: {  	[dreg:$0x1] =	wrdreg $0xFFFFFFFF  }
0xc1: {  	_ =	task.clear_ibuf [dreg:s7], $0x2FFFF;
	_ =	strace $0x9FFFFFFF  }
0xc2: {  	(tm) =	ssettm $0x7FFFFFFF  }
0xc3: {  	_ =	shalt  }
tec
execute0_lowered:
.L_overlay_start_1:
0x0: {  	(tag) =	ssettag $0x1  }
0x1: {  	s2 =	rddreg [dreg:$0x0]  }
0x2: {  	s5 =	rddreg [dreg:$0x1];
	s3 =	srdreg.scid  }
0x3: {  	s0 =	rddreg [dreg:$0x2];
	s1 =	stileid.u32;
	s10 =	simm.s32 $0x6000  }
0x4: {  	s11 =	simm.s32 $0x1;
	s12 =	simm.s32 $0xC000;
	s13 =	simm.s32 $0x2  }
0x5: {  	s14 =	simm.s32 $0x12000;
	s15 =	simm.s32 $0x3;
	s16 =	simm.s32 $0x4  }
0x6: {  	s17 =	simm.s32 $0x0;
	s6 =	sand.u32 $0x1, s3;
	s3 =	simm.s32 $0x0  }
.Ltmp0:
0x7: {  	s4 =	sshll.u32 s1, $0x15;
	s7 =	sshll.u32 s6, $0x14;
	(pc) =	sbr.rel .LBB2_1-.Ltmp0, $4  }
0x8: {  	s5 =	sadd.s32 $0x800, s5;
	s30 =	ssub.s32 $0x2, s6;
	s4 =	sor.u32 s7, s4  }
0x9: {  	[smem:$0x7FF] =	sst s3;
	s8 =	sshrl.u32 s30, $0x1;
	s31 =	sshrl.u32 s4, $0x3  }
0xa: {  	_ =	strace $0x8000004A;
	s9 =	ssub.s32 s30, s8;
	s6 =	sadd.s32 s2, s31  }
0xb: {  	s8 =	sor.u32 $0x6000, s4;
	s9 =	smax.u32 s9, $0x1;
	s7 =	sadd.s32 $0xC00, s6  }
.LBB2_8:
0xc: {  	s17 =	sadd.s32 $0x1, s17  }
0xd: {  	_ =	swait.ge [sflag:s15], $0x6000;
	p0 =	sne.s32 s17, s9  }
.Ltmp1:
0xe: {  	[sflag:s15] =	ssyncset.done $0x0;
	(pc) =	sbr.rel @!p0 .LBB2_9-.Ltmp1, $4  }
0xf: {  	[sflag:s15] =	ssyncadd.s32 $0xFFFFA000  }
0x10: {  	_ =	swait.ge [sflag:s16], $0x6000  }
0x11: {  	[sflag:s16] =	ssyncset.done $0x0  }
0x12: {  	[sflag:s16] =	ssyncadd.s32 $0xFFFFA000  }
.LBB2_1:
0x13: {  	[tilespmem:s3], [sflag:$0x1] =	stream.linear.gather [hbm4b:s6+s3], $0x6000, $0x38;
	[tilespmem:$0x18000] =	vst v63  }
0x14: {  	s18 =	simm.s32 $0x0  }
0x15: {  	[tilespmem:s10], [sflag:$0x2] =	stream.linear.gather [hbm4b:s7+s3], $0x6000, $0x38;
	[tilespmem:$0x18000] =	vst v63  }
.LBB2_2:
0x16: {  	_ =	swait.ge [sflag:s11], $0x6000  }
0x17: {  	p0 =	seq.s32 s18, $0x0;
	[sflag:s11] =	ssyncset.done $0x0  }
0x18: {  	s19 =	simm.s32 @!p0 $0x3;
	[sflag:s11] =	ssyncadd.s32 $0xFFFFA000  }
0x19: {  	_ =	swait.ge @!p0 [sflag:s19], $0x6000  }
0x1a: {  	[sflag:s19] =	ssyncset.done @!p0 $0x0  }
0x1b: {  	s21 =	simm.s32 $0x0;
	[sflag:s19] =	ssyncadd.s32 @!p0 $0xFFFFA000  }
0x1c: {  	v1 =	vld [tilespmem:s21+$0x70]  }
0x1d: {  	v4 =	vld [tilespmem:s21+$0x0]  }
0x1e: {  	v5 =	vld [tilespmem:s21+$0x10]  }
0x1f: {  	v3 =	vld [tilespmem:s21+$0x20]  }
0x20: {  	v2 =	vld [tilespmem:s21+$0x30]  }
0x21: {  	s19 =	smul.u32 $0xC000, s18;
	v0 =	vld [tilespmem:s21+$0x40];
	v6 =	vmax.f32 v1, $0.0e+00  }
0x22: {  	v1 =	vld [tilespmem:s21+$0x50];
	v4 =	vmax.f32 v4, $0.0e+00;
	[tilespmem:s21+$0xC070] =	vst v6  }
0x23: {  	s22 =	simm.s32 $0x80;
	s23 =	simm.s32 $0x400;
	s20 =	sadd.s32 s4, s19;
	v5 =	vmax.f32 v5, $0.0e+00;
	[tilespmem:s21+$0xC000] =	vst v4;
	v4 =	vld [tilespmem:s21+$0x60]  }
.LBB2_3:
0x24: {  	p1 =	sne.s32 s23, $0x17E00;
	v6 =	vld [tilespmem:s22+$0x70];
	[tilespmem:s21+$0xC010] =	vst v5;
	v3 =	vmax.f32 v3, $0.0e+00  }
0x25: {  	v5 =	vld [tilespmem:s22+$0x0];
	[tilespmem:s21+$0xC020] =	vst v3;
	v2 =	vmax.f32 v2, $0.0e+00  }
0x26: {  	v7 =	vld [tilespmem:s22+$0x10];
	[tilespmem:s21+$0xC030] =	vst v2;
	v0 =	vmax.f32 v0, $0.0e+00  }
.Ltmp2:
0x27: {  	v3 =	vld [tilespmem:s22+$0x20];
	[tilespmem:s21+$0xC040] =	vst v0;
	v0 =	vmax.f32 v1, $0.0e+00;
	(pc) =	sbr.rel @p1 .LBB2_3-.Ltmp2, $4  }
0x28: {  	v2 =	vld [tilespmem:s22+$0x30];
	[tilespmem:s21+$0xC050] =	vst v0;
	v1 =	vmax.f32 v4, $0.0e+00  }
0x29: {  	v0 =	vld [tilespmem:s22+$0x40];
	v4 =	vmax.f32 v6, $0.0e+00;
	[tilespmem:s21+$0xC060] =	vst v1;
	s21 =	smov.u32 s22  }
0x2a: {  	v5 =	vmax.f32 v5, $0.0e+00;
	v1 =	vld [tilespmem:s21+$0x50];
	[tilespmem:s21+$0xC070] =	vst v4  }
0x2b: {  	s22 =	sshra.s32 s23, $0x2;
	s23 =	sadd.s32 $0x200, s23;
	[tilespmem:s21+$0xC000] =	vst v5;
	v5 =	vmax.f32 v7, $0.0e+00;
	v4 =	vld [tilespmem:s21+$0x60]  }
0x2c: {  	v6 =	vld [tilespmem:s22+$0x70];
	[tilespmem:s21+$0xC010] =	vst v5;
	v3 =	vmax.f32 v3, $0.0e+00  }
0x2d: {  	v5 =	vld [tilespmem:s22+$0x0];
	[tilespmem:s21+$0xC020] =	vst v3;
	v2 =	vmax.f32 v2, $0.0e+00  }
0x2e: {  	v3 =	vld [tilespmem:s22+$0x10];
	[tilespmem:s21+$0xC030] =	vst v2;
	v0 =	vmax.f32 v0, $0.0e+00  }
0x2f: {  	v2 =	vld [tilespmem:s22+$0x20];
	[tilespmem:s21+$0xC040] =	vst v0;
	v0 =	vmax.f32 v1, $0.0e+00  }
0x30: {  	v1 =	vld [tilespmem:s22+$0x30];
	[tilespmem:s21+$0xC050] =	vst v0;
	v0 =	vmax.f32 v4, $0.0e+00  }
0x31: {  	v4 =	vld [tilespmem:s22+$0x40];
	[tilespmem:s21+$0xC060] =	vst v0;
	v0 =	vmax.f32 v6, $0.0e+00  }
0x32: {  	v6 =	vld [tilespmem:s22+$0x50];
	v5 =	vmax.f32 v5, $0.0e+00;
	[tilespmem:s22+$0xC070] =	vst v0  }
0x33: {  	[tilespmem:s22+$0xC000] =	vst v5;
	v0 =	vmax.f32 v3, $0.0e+00;
	v3 =	vld [tilespmem:s22+$0x60]  }
0x34: {  	[tilespmem:s22+$0xC010] =	vst v0;
	v0 =	vmax.f32 v2, $0.0e+00  }
0x35: {  	[tilespmem:s22+$0xC020] =	vst v0;
	v0 =	vmax.f32 v1, $0.0e+00  }
0x36: {  	[tilespmem:s22+$0xC030] =	vst v0;
	v0 =	vmax.f32 v4, $0.0e+00  }
0x37: {  	p1 =	seq.s32 s18, $0x14;
	[tilespmem:s22+$0xC040] =	vst v0;
	v0 =	vmax.f32 v6, $0.0e+00  }
0x38: {  	s31 =	sshrl.u32 s20, $0x3;
	s20 =	sshrl.u32 @!p1 s20, $0x3;
	[tilespmem:s22+$0xC050] =	vst v0;
	v0 =	vmax.f32 v3, $0.0e+00  }
0x39: {  	s20 =	sadd.s32 @!p1 s2, s20;
	s21 =	sadd.s32 s5, s31;
	[tilespmem:s22+$0xC060] =	vst v0  }
0x3a: {  	[hbm4b:s21+s3] =	stream.linear.scatter [tilespmem:s12], [sflag:$0x3], $0x6000, $0x38;
	[tilespmem:$0x18000] =	vst v63  }
0x3b: {  	s20 =	sadd.s32 @!p1 $0x1800, s20;
	s21 =	simm.s32 @!p1 $0x0  }
0x3c: {  	[tilespmem:s21], [sflag:$0x1] =	stream.linear.gather @!p1 [hbm4b:s20+s21], $0x6000, $0x38;
	[tilespmem:$0x18000] =	vst v63  }
0x3d: {  	_ =	swait.ge [sflag:s13], $0x6000  }
0x3e: {  	[sflag:s13] =	ssyncset.done $0x0  }
0x3f: {  	s20 =	simm.s32 @!p0 $0x4;
	[sflag:s13] =	ssyncadd.s32 $0xFFFFA000  }
0x40: {  	_ =	swait.ge @!p0 [sflag:s20], $0x6000  }
0x41: {  	[sflag:s20] =	ssyncset.done @!p0 $0x0  }
0x42: {  	s21 =	simm.s32 $0x0;
	[sflag:s20] =	ssyncadd.s32 @!p0 $0xFFFFA000  }
0x43: {  	v1 =	vld [tilespmem:s21+$0x6070]  }
0x44: {  	v4 =	vld [tilespmem:s21+$0x6000]  }
0x45: {  	v5 =	vld [tilespmem:s21+$0x6010]  }
0x46: {  	v3 =	vld [tilespmem:s21+$0x6020]  }
0x47: {  	v2 =	vld [tilespmem:s21+$0x6030]  }
0x48: {  	v0 =	vld [tilespmem:s21+$0x6040];
	v6 =	vmax.f32 v1, $0.0e+00  }
0x49: {  	v1 =	vld [tilespmem:s21+$0x6050];
	v4 =	vmax.f32 v4, $0.0e+00;
	[tilespmem:s21+$0x12070] =	vst v6  }
0x4a: {  	s19 =	sadd.s32 s19, s8;
	s22 =	simm.s32 $0x400;
	s20 =	simm.s32 $0x80;
	v5 =	vmax.f32 v5, $0.0e+00;
	[tilespmem:s21+$0x12000] =	vst v4;
	v4 =	vld [tilespmem:s21+$0x6060]  }
.LBB2_5:
0x4b: {  	p0 =	sne.s32 s22, $0x17E00;
	v6 =	vld [tilespmem:s20+$0x6070];
	[tilespmem:s21+$0x12010] =	vst v5;
	v3 =	vmax.f32 v3, $0.0e+00  }
0x4c: {  	v5 =	vld [tilespmem:s20+$0x6000];
	[tilespmem:s21+$0x12020] =	vst v3;
	v2 =	vmax.f32 v2, $0.0e+00  }
0x4d: {  	v7 =	vld [tilespmem:s20+$0x6010];
	[tilespmem:s21+$0x12030] =	vst v2;
	v0 =	vmax.f32 v0, $0.0e+00  }
.Ltmp3:
0x4e: {  	v3 =	vld [tilespmem:s20+$0x6020];
	[tilespmem:s21+$0x12040] =	vst v0;
	v0 =	vmax.f32 v1, $0.0e+00;
	(pc) =	sbr.rel @p0 .LBB2_5-.Ltmp3, $4  }
0x4f: {  	v2 =	vld [tilespmem:s20+$0x6030];
	[tilespmem:s21+$0x12050] =	vst v0;
	v1 =	vmax.f32 v4, $0.0e+00  }
0x50: {  	v0 =	vld [tilespmem:s20+$0x6040];
	v4 =	vmax.f32 v6, $0.0e+00;
	[tilespmem:s21+$0x12060] =	vst v1;
	s21 =	smov.u32 s20  }
0x51: {  	v5 =	vmax.f32 v5, $0.0e+00;
	v1 =	vld [tilespmem:s21+$0x6050];
	[tilespmem:s21+$0x12070] =	vst v4  }
0x52: {  	s20 =	sshra.s32 s22, $0x2;
	s22 =	sadd.s32 $0x200, s22;
	[tilespmem:s21+$0x12000] =	vst v5;
	v5 =	vmax.f32 v7, $0.0e+00;
	v4 =	vld [tilespmem:s21+$0x6060]  }
0x53: {  	v6 =	vld [tilespmem:s20+$0x6070];
	[tilespmem:s21+$0x12010] =	vst v5;
	v3 =	vmax.f32 v3, $0.0e+00  }
0x54: {  	v5 =	vld [tilespmem:s20+$0x6000];
	[tilespmem:s21+$0x12020] =	vst v3;
	v2 =	vmax.f32 v2, $0.0e+00  }
0x55: {  	v3 =	vld [tilespmem:s20+$0x6010];
	[tilespmem:s21+$0x12030] =	vst v2;
	v0 =	vmax.f32 v0, $0.0e+00  }
0x56: {  	v2 =	vld [tilespmem:s20+$0x6020];
	[tilespmem:s21+$0x12040] =	vst v0;
	v51 =	vmax.f32 v1, $0.0e+00  }
0x57: {  	v52 =	vld [tilespmem:s20+$0x6030];
	[tilespmem:s21+$0x12050] =	vst v51;
	v53 =	vmax.f32 v4, $0.0e+00  }
0x58: {  	v54 =	vld [tilespmem:s20+$0x6040];
	[tilespmem:s21+$0x12060] =	vst v53;
	v55 =	vmax.f32 v6, $0.0e+00  }
0x59: {  	v56 =	vld [tilespmem:s20+$0x6050];
	v5 =	vmax.f32 v5, $0.0e+00;
	[tilespmem:s20+$0x12070] =	vst v55  }
0x5a: {  	v58 =	vld [tilespmem:s20+$0x6060];
	[tilespmem:s20+$0x12000] =	vst v5;
	v57 =	vmax.f32 v3, $0.0e+00  }
0x5b: {  	[tilespmem:s20+$0x12010] =	vst v57;
	v59 =	vmax.f32 v2, $0.0e+00  }
0x5c: {  	[tilespmem:s20+$0x12020] =	vst v59;
	v60 =	vmax.f32 v52, $0.0e+00  }
.Ltmp4:
0x5d: {  	[tilespmem:s20+$0x12030] =	vst v60;
	v61 =	vmax.f32 v54, $0.0e+00;
	(pc) =	sbr.rel @p1 .LBB2_8-.Ltmp4, $4  }
0x5e: {  	[tilespmem:s20+$0x12040] =	vst v61;
	v62 =	vmax.f32 v56, $0.0e+00  }
0x5f: {  	s19 =	sshrl.u32 s19, $0x3;
	v63 =	vmax.f32 v58, $0.0e+00;
	[tilespmem:s20+$0x12050] =	vst v62  }
0x60: {  	s31 =	sadd.s32 s5, s19;
	[tilespmem:s20+$0x12060] =	vst v63  }
0x61: {  	[hbm4b:s31+s3] =	stream.linear.scatter [tilespmem:s14], [sflag:$0x4], $0x6000, $0x38;
	[tilespmem:$0x18000] =	vst v63  }
.Ltmp5:
0x62: {  	(pc) =	sbr.rel .LBB2_2-.Ltmp5, $4  }
0x63: {  	_ = 	snop  }
0x64: {  	s19 =	sadd.s32 s2, s19  }
0x65: {  	s18 =	sadd.s32 $0x1, s18;
	s19 =	sadd.s32 $0x1800, s19  }
0x66: {  	[tilespmem:s10], [sflag:$0x2] =	stream.linear.gather [hbm4b:s19+s3], $0x6000, $0x38;
	[tilespmem:$0x18000] =	vst v63  }
.LBB2_9:
0x67: {  	_ =	sfence.sel $0x180000  }
0x68: {  	[bflag:$0x0] =	sbarrier.arrive $0xFFFF  }
0x69: {  	p0 =	sne.s32 s1, $0x0;
	_ =	strace $0x9000004A  }
0x6a: {  	s0 =	sadd.s32 @!p0 $0x100000, s0;
	[bflag:$0x2] =	sbarrier.arrive $0xFFFF  }
0x6b: {  	[sflag:s0] =	ssyncadd.tile.s32 @!p0 $0x1;
	_ =	shalt  }
.Lfunc_end2:
_tile_overlayer_lowered:
.L_overlay_start_2:
0x6c: {  	(tag) =	ssettag $0x2  }
0x6d: {  	s0 =	rddreg [dreg:$0x0];
	s2 =	stileid.u32  }
0x6e: {  	s1 =	rddreg [dreg:$0x1];
	p0 =	sne.s32 s2, $0x0  }
0x6f: {  	s3 =	rddreg [dreg:$0x2];
	[bflag:$0x3] =	sbarrier.arrive $0xFFFF;
	s2 =	simm.s32 @!p0 $0x1C05  }
0x70: {  	[timem:s3], [sflag:s2] =	dma.local @!p0 [hbm:s0], s1  }
0x71: {  	s0 =	simm.s32 @!p0 $0x5  }
0x72: {  	_ =	swait.ge @!p0 [sflag:s0], s1  }
0x73: {  	s1 =	ssub.s32 @!p0 $0x0, s1;
	[sflag:s0] =	ssyncset.done @!p0 $0x0  }
0x74: {  	[sflag:s0] =	ssyncadd.s32 @!p0 s1  }
0x75: {  	[bflag:$0x3] =	sbarrier.arrive $0xFFFF  }
0x76: {  	_ =	shalt  }

// kernel: sparse-core-data-format-call.cloned.1.call-start
scs
called_computation_lowered:
.L_overlay_start_0:
0x0: {  	s2 =	sld [smem:$0x3FD9]  }
0x1: {  	s3 =	sld [smem:$0x3FFE];
	_ =	sdelay $0x1  }
0x2: {  	s1 =	srdreg.scid  }
0x3: {  	s0 =	sand.u32 $0x1, s1  }
0x4: {  	s19 =	sshll.u32 s0, $0xA;
	s2 =	sadd.s32 s3, s2  }
0x5: {  	s2 =	sadd.s32 s2, s19  }
0x6: {  	[smem:$0x3FC7] =	sst s2  }
0x7: {  	_ = 	snop  }
0x8: {  	s2 =	sld [smem:$0x3FC9]  }
0x9: {  	s20 =	sld [smem:$0x3FD0];
	(tm) =	ssettm $0x1  }
0xa: {  	s4 =	sld [smem:$0x3FFB];
	_ =	sdelay $0x3  }
0xb: {  	_ =	strace s4  }
0xc: {  	s4 =	sld [smem:$0x3FFC];
	_ =	sdelay $0x3  }
0xd: {  	_ =	strace s4  }
0xe: {  	s4 =	sld [smem:$0x3FFD];
	_ =	sdelay $0x3  }
0xf: {  	_ =	strace s4  }
0x10: {  	_ =	strace $0x8FFFFFFF  }
0x11: {  	s21 =	sld [smem:$0x3FDB];
	_ =	sdelay $0x1  }
0x12: {  	s5 =	simm.s32 $_scs_section_size  }
0x13: {  	s6 =	simm.s32 $_size__tile_overlayer_lowered;
	s7 =	simm.s32 $_tile_overlayer_lowered  }
0x14: {  	s24 =	simm.s32 $0x1BFF;
	s23 =	sshll.u32 s7, $0x1;
	s4 =	sadd.s32 s5, s21  }
0x15: {  	s8 =	simm.s32 $0x0;
	s22 =	sshll.u32 s6, $0x1;
	s6 =	sadd.s32 s23, s4  }
0x16: {  	[timem:s8], [sflag:s24] =	dma.local [hbm:s6], s22  }
0x17: {  	_ =	swait.ge [sflag:s24], s22  }
0x18: {  	s5 =	ssub.s32 $0x0, s22;
	[sflag:s24] =	ssyncset.done $0x0  }
0x19: {  	[sflag:s24] =	ssyncadd.s32 s5;
	_ =	sdelay $0x1  }
0x1a: {  	s25 =	simm.s32 $0x1B8B  }
0x1b: {  	_ =	swait.ge [sflag:s25], $0x1  }
0x1c: {  	[sflag:s25] =	ssyncset.done $0x0  }
0x1d: {  	s26 =	simm.s32 $0x1B8E;
	[sflag:s25] =	ssyncadd.s32 $0xFFFFFFFF  }
0x1e: {  	s27 =	simm.s32 $execute0_lowered;
	[smem:$0x3FD2] =	sst s26  }
0x1f: {  	s5 =	sshll.u32 s27, $0x1;
	_ =	strace $0x80000046;
	[dreg:$0x1] =	wrdreg $0xFFFFFFFF  }
0x20: {  	s28 =	simm.s32 $_size_execute0_lowered;
	s4 =	sadd.s32 s4, s5;
	[dreg:$0x0] =	wrdreg $0x0  }
0x21: {  	s5 =	sshll.u32 s28, $0x1;
	[dreg:$0x2] =	wrdreg s4  }
0x22: {  	[dreg:$0x3] =	wrdreg s5  }
0x23: {  	[dreg:$0x4] =	wrdreg $0xC0  }
0x24: {  	_ =	task [dreg:s8], $0x5FFFF  }
0x25: {  	[dreg:$0x1] =	wrdreg $0xFFFFFFFF  }
0x26: {  	[dreg:$0x0] =	wrdreg $0x60  }
0x27: {  	[dreg:$0x2] =	wrdreg s2  }
0x28: {  	[dreg:$0x3] =	wrdreg s20  }
0x29: {  	[dreg:$0x4] =	wrdreg $0x9  }
0x2a: {  	_ =	task.clear_ibuf [dreg:s8], $0x5FFFF;
	_ =	strace $0x90000046  }
0x2b: {  	s29 =	simm.s32 $0x9;
	_ =	strace $0x80000048  }
0x2c: {  	_ =	swait.ge [sflag:s29], $0x1  }
0x2d: {  	[sflag:s29] =	ssyncadd.s32 $0xFFFFFFFF  }
0x2e: {  	_ =	strace $0x90000048  }
0x2f: {  	_ =	sfence  }
0x30: {  	s30 =	sld [smem:$0x0];
	_ =	sdelay $0x2  }
0x31: {  	s31 =	sshll.u32 s1, $0xD;
	s1 =	sshrl.u32 s1, $0x2  }
0x32: {  	s3 =	sand.u32 $0x4000, s31;
	s1 =	sadd.s32 s1, s30  }
0x33: {  	s0 =	sor.u32 s3, s0;
	s1 =	sshll.u32 s1, $0x11  }
0x34: {  	s0 =	sor.u32 s1, s0  }
0x35: {  	s0 =	sadd.s32 $0x8F2B, s0  }
0x36: {  	[sflag:s0] =	ssyncadd.remote.s32 $0x1  }
0x37: {  	_ =	sfence.sel $0xFFFF  }
0x38: {  	[dreg:$0x0] =	wrdreg $0xFFFFFFFF;
	(pc) =	sbr.abs _section_cstart, $3  }
0x39: {  	[dreg:$0x1] =	wrdreg $0xFFFFFFFF  }
0x3a: {  	_ =	task.clear_ibuf [dreg:s8], $0x2FFFF;
	_ =	strace $0x9FFFFFFF  }
0x3b: {  	(tm) =	ssettm $0x7FFFFFFF  }
tec
execute0_lowered:
.L_overlay_start_1:
0x0: {  	(tag) =	ssettag $0x1  }
0x1: {  	s2 =	rddreg [dreg:$0x0]  }
0x2: {  	s3 =	rddreg [dreg:$0x1]  }
0x3: {  	s0 =	rddreg [dreg:$0x2];
	s4 =	srdreg.scid  }
.Ltmp0:
0x4: {  	_ =	strace $0x80000047;
	s1 =	stileid.u32;
	(pc) =	sbr.rel .LBB1_1-.Ltmp0, $4  }
0x5: {  	s6 =	simm.s32 $0x2;
	p0 =	por $0x0, $0x0;
	s5 =	sshll.u32 s4, $0x4  }
0x6: {  	s9 =	simm.s32 $0x0;
	s4 =	simm.s32 $0x1;
	s5 =	sand.u32 $0x10, s5  }
0x7: {  	s7 =	simm.s32 $0x0;
	[sflag:s4] =	ssyncpa.u1 $0x0;
	s5 =	sor.u32 s1, s5  }
0x8: {  	[sflag:s6] =	ssyncpa.u1 $0x0;
	s6 =	simm.s32 $0x0;
	s8 =	smov.u32 s5  }
.LBB1_7:
0x9: {  	s11 =	sadd.s32 $0x20, s8  }
0xa: {  	p1 =	slt.u32 s7, $0x2;
	s7 =	sadd.s32 $0x1, s7;
	p2 =	sgt.s32 s11, $0x7FF  }
0xb: {  	s11 =	smov.u32 @p2 s5;
	p2 =	sne.s32 s7, $0x42  }
.Ltmp1:
0xc: {  	_ = 	snop;
	(pc) =	sbr.rel @!p2 .LBB1_8-.Ltmp1, $4  }
0xd: {  	s10 =	simm.s32 @!p1 $0x2  }
0xe: {  	_ =	swait.ge @!p1 [sflag:s10], $0x4000  }
0xf: {  	s9 =	smov.u32 s8;
	[sflag:s10] =	ssyncset.done @!p1 $0x0  }
0x10: {  	p0 =	por !p0, !p0;
	s8 =	smov.u32 s11;
	[sflag:s10] =	ssyncadd.s32 @!p1 $0xFFFFC000  }
.LBB1_1:
0x11: {  	p1 =	sgt.u32 s7, $0x3F  }
0x12: {  	s10 =	sxor.u32 @!p1 $0xFFFFFFFF, s7  }
0x13: {  	s11 =	sshll.u32 @!p1 s8, $0xB;
	s10 =	sshll.u32 @!p1 s10, $0xE  }
0x14: {  	s12 =	simm.s32 @!p1 $0x0;
	s11 =	sadd.s32 @!p1 s2, s11;
	s10 =	sand.u32 @!p1 $0x4000, s10  }
0x15: {  	[tilespmem:s10], [sflag:$0x1] =	stream.linear.gather @!p1 [hbm4b:s11+s12], $0x4000, $0x38;
	[tilespmem:$0x10000] =	vst v63  }
0x16: {  	p1 =	seq.s32 s7, $0x0  }
0x17: {  	p2 =	seq.s32 @!p1 s7, $0x41  }
0x18: {  	p1 =	por p1, p2  }
.Ltmp2:
0x19: {  	_ = 	snop;
	(pc) =	sbr.rel @p1 .LBB1_7-.Ltmp2, $1  }
0x1a: {  	_ =	sdelay $0x3  }
0x1b: {  	s10 =	simm.s32 $0x1;
	_ =	swait.ge [sflag:s4], $0x4000;
	s12 =	sshll.u32 s7, $0xE  }
0x1c: {  	s13 =	simm.s32 $0x0;
	s10 =	simm.s32 @!p0 $0x0;
	[sflag:s4] =	ssyncset.done $0x0  }
0x1d: {  	s12 =	sand.u32 $0x4000, s12;
	s11 =	sshll.u32 s10, $0xE;
	[sflag:s4] =	ssyncadd.s32 $0xFFFFC000  }
0x1e: {  	s12 =	sor.u32 $0x8000, s12;
	s10 =	sor.u32 $0x8040, s11;
	s11 =	sor.u32 $0x40, s11  }
.LBB1_3:
0x1f: {  	v0 =	vmov s11;
	_ =	sdelay $0x3  }
0x20: {  	s15 =	simm.s32 $0x0  }
0x21: {  	v6 =	vld.idx.msk [tilespmem:v0+s15+$0x30 ss:$0x1], $0xffff  }
0x22: {  	v7 =	vld.idx.msk [tilespmem:v0+s15+$0xFFFFFFC0 ss:$0x1], $0xffff  }
0x23: {  	v5 =	vld.idx.msk [tilespmem:v0+s15+$0xFFFFFFD0 ss:$0x1], $0xffff  }
0x24: {  	v4 =	vld.idx.msk [tilespmem:v0+s15+$0xFFFFFFE0 ss:$0x1], $0xffff  }
0x25: {  	v3 =	vld.idx.msk [tilespmem:v0+s15+$0xFFFFFFF0 ss:$0x1], $0xffff  }
0x26: {  	v1 =	vld.idx.msk [tilespmem:v0+s15+$0x0 ss:$0x1], $0xffff  }
0x27: {  	v2 =	vld.idx.msk [tilespmem:v0+s15+$0x10 ss:$0x1], $0xffff;
	[tilespmem:s10+$0x30] =	vst v6  }
0x28: {  	s14 =	simm.s32 $0x80;
	s16 =	simm.s32 $0x400;
	[tilespmem:s10+$0xFFFFFFC0] =	vst v7;
	v6 =	vld.idx.msk [tilespmem:v0+s15+$0x20 ss:$0x1], $0xffff;
	s15 =	smov.u32 s10  }
.LBB1_4:
0x29: {  	p1 =	sne.s32 s16, $0xE00;
	v7 =	vld.idx.msk [tilespmem:v0+s14+$0x30 ss:$0x1], $0xffff;
	[tilespmem:s15+$0xFFFFFFD0] =	vst v5  }
0x2a: {  	v8 =	vld.idx.msk [tilespmem:v0+s14+$0xFFFFFFC0 ss:$0x1], $0xffff;
	[tilespmem:s15+$0xFFFFFFE0] =	vst v4  }
0x2b: {  	v5 =	vld.idx.msk [tilespmem:v0+s14+$0xFFFFFFD0 ss:$0x1], $0xffff;
	[tilespmem:s15+$0xFFFFFFF0] =	vst v3  }
.Ltmp3:
0x2c: {  	v4 =	vld.idx.msk [tilespmem:v0+s14+$0xFFFFFFE0 ss:$0x1], $0xffff;
	[tilespmem:s15+$0x0] =	vst v1;
	(pc) =	sbr.rel @p1 .LBB1_4-.Ltmp3, $4  }
0x2d: {  	v3 =	vld.idx.msk [tilespmem:v0+s14+$0xFFFFFFF0 ss:$0x1], $0xffff;
	[tilespmem:s15+$0x10] =	vst v2  }
0x2e: {  	v1 =	vld.idx.msk [tilespmem:v0+s14+$0x0 ss:$0x1], $0xffff;
	[tilespmem:s15+$0x20] =	vst v6;
	s15 =	sadd.s32 $0x800, s15  }
0x2f: {  	v2 =	vld.idx.msk [tilespmem:v0+s14+$0x10 ss:$0x1], $0xffff;
	[tilespmem:s15+$0x30] =	vst v7  }
0x30: {  	[tilespmem:s15+$0xFFFFFFC0] =	vst v8;
	v6 =	vld.idx.msk [tilespmem:v0+s14+$0x20 ss:$0x1], $0xffff;
	s14 =	sshra.s32 s16, $0x2;
	s16 =	sadd.s32 $0x200, s16  }
0x31: {  	_ =	sdelay $0x2  }
0x32: {  	[tilespmem:s15+$0xFFFFFFD0] =	vst v5  }
0x33: {  	v56 =	vld.idx.msk [tilespmem:v0+s14+$0x30 ss:$0x1], $0xffff;
	[tilespmem:s15+$0xFFFFFFE0] =	vst v4  }
0x34: {  	v57 =	vld.idx.msk [tilespmem:v0+s14+$0xFFFFFFC0 ss:$0x1], $0xffff;
	[tilespmem:s15+$0xFFFFFFF0] =	vst v3  }
0x35: {  	v58 =	vld.idx.msk [tilespmem:v0+s14+$0xFFFFFFD0 ss:$0x1], $0xffff;
	[tilespmem:s15+$0x0] =	vst v1  }
0x36: {  	v59 =	vld.idx.msk [tilespmem:v0+s14+$0xFFFFFFE0 ss:$0x1], $0xffff;
	[tilespmem:s15+$0x10] =	vst v2  }
0x37: {  	v60 =	vld.idx.msk [tilespmem:v0+s14+$0xFFFFFFF0 ss:$0x1], $0xffff;
	s31 =	sadd.s32 $0x800, s15;
	[tilespmem:s15+$0x20] =	vst v6  }
0x38: {  	v61 =	vld.idx.msk [tilespmem:v0+s14+$0x0 ss:$0x1], $0xffff;
	[tilespmem:s31+$0x30] =	vst v56  }
0x39: {  	v62 =	vld.idx.msk [tilespmem:v0+s14+$0x10 ss:$0x1], $0xffff;
	s13 =	sadd.s32 $0x1, s13;
	[tilespmem:s31+$0xFFFFFFC0] =	vst v57  }
0x3a: {  	v63 =	vld.idx.msk [tilespmem:v0+s14+$0x20 ss:$0x1], $0xffff;
	p1 =	sne.s32 s13, $0x10;
	[tilespmem:s31+$0xFFFFFFD0] =	vst v58  }
.Ltmp4:
0x3b: {  	[tilespmem:s31+$0xFFFFFFE0] =	vst v59;
	(pc) =	sbr.rel @p1 .LBB1_3-.Ltmp4, $4  }
0x3c: {  	[tilespmem:s31+$0xFFFFFFF0] =	vst v60  }
0x3d: {  	[tilespmem:s31+$0x0] =	vst v61  }
0x3e: {  	[tilespmem:s31+$0x10] =	vst v62  }
0x3f: {  	s10 =	sadd.s32 $0x80, s10;
	s11 =	sadd.s32 $0x400, s11;
	[tilespmem:s31+$0x20] =	vst v63  }
.Ltmp5:
0x40: {  	(pc) =	sbr.rel .LBB1_7-.Ltmp5, $4  }
0x41: {  	_ = 	snop  }
0x42: {  	s9 =	sshll.u32 s9, $0xB  }
0x43: {  	s9 =	sadd.s32 s3, s9  }
0x44: {  	[hbm4b:s9+s6] =	stream.linear.scatter [tilespmem:s12], [sflag:$0x2], $0x4000, $0x38;
	[tilespmem:$0x10000] =	vst v63  }
.LBB1_8:
0x45: {  	_ =	sfence.sel $0x180000  }
0x46: {  	s2 =	simm.s32 $0x1;
	[bflag:$0x0] =	sbarrier.arrive $0xFFFF  }
0x47: {  	s31 =	simm.s32 $0x2;
	[sflag:s2] =	ssyncpa.u1 $0x1  }
0x48: {  	[sflag:s31] =	ssyncpa.u1 $0x1  }
0x49: {  	p0 =	sne.s32 s1, $0x0;
	_ =	strace $0x90000047  }
0x4a: {  	s0 =	sadd.s32 @!p0 $0x100000, s0;
	[bflag:$0x2] =	sbarrier.arrive $0xFFFF  }
0x4b: {  	[sflag:s0] =	ssyncadd.tile.s32 @!p0 $0x1;
	_ =	shalt  }
.Lfunc_end1:
_tile_overlayer_lowered:
.L_overlay_start_2:
0x4c: {  	(tag) =	ssettag $0x2  }
0x4d: {  	s0 =	rddreg [dreg:$0x0];
	s2 =	stileid.u32  }
0x4e: {  	s1 =	rddreg [dreg:$0x1];
	p0 =	sne.s32 s2, $0x0  }
0x4f: {  	s3 =	rddreg [dreg:$0x2];
	[bflag:$0x3] =	sbarrier.arrive $0xFFFF;
	s2 =	simm.s32 @!p0 $0x1C01  }
0x50: {  	[timem:s3], [sflag:s2] =	dma.local @!p0 [hbm:s0], s1  }
0x51: {  	s0 =	simm.s32 @!p0 $0x1  }
0x52: {  	_ =	swait.ge @!p0 [sflag:s0], s1  }
0x53: {  	s1 =	ssub.s32 @!p0 $0x0, s1;
	[sflag:s0] =	ssyncset.done @!p0 $0x0  }
0x54: {  	[sflag:s0] =	ssyncadd.s32 @!p0 s1  }
0x55: {  	[bflag:$0x3] =	sbarrier.arrive $0xFFFF  }
0x56: {  	_ =	shalt  }

</sc_bundles>
